<compile_context>
chip_gen: v7x
topology: tpu7x:2x2x1
jax: 0.10.2.dev20260603
libtpu: 0.0.44.dev20260713+nightly
codegen_flags: <defaults>
</compile_context>

<pallas_src>
import functools

import jax
import jax.numpy as jnp
from jax import lax
from jax.experimental import pallas as pl
from jax.experimental.pallas import tpu as pltpu
from jax.experimental.pallas import tpu_sc as plsc

_B = 4096
_I = 1024
_NC = 2
_NS = 16
_NW = _NC * _NS
_SB = _B // _NW
_IB = _I // _NW


@functools.partial(
    pl.kernel,
    out_type=(
        jax.ShapeDtypeStruct((_B,), jnp.float32),
        jax.ShapeDtypeStruct((_I,), jnp.float32),
    ),
    mesh=plsc.VectorSubcoreMesh(core_axis_name="c", subcore_axis_name="s"),
    scratch_types=[
        pltpu.VMEM((_SB,), jnp.int32),
        pltpu.VMEM((_SB,), jnp.float32),
        pltpu.VMEM((_IB,), jnp.int32),
        pltpu.VMEM((_IB,), jnp.float32),
        pltpu.SemaphoreType.DMA,
    ],
)
def _sc_gather(sids_hbm, iids_hbm, ability_hbm, difficulty_hbm,
               sa_out, idf_out, sidx_v, srow_v, iidx_v, irow_v, sem):
    wid = lax.axis_index("s") * _NC + lax.axis_index("c")
    sbase = wid * _SB
    ibase = wid * _IB
    pltpu.sync_copy(sids_hbm.at[pl.ds(sbase, _SB)], sidx_v)
    pltpu.sync_copy(iids_hbm.at[pl.ds(ibase, _IB)], iidx_v)
    c1 = pltpu.async_copy(ability_hbm.at[sidx_v], srow_v, sem)
    c2 = pltpu.async_copy(difficulty_hbm.at[iidx_v], irow_v, sem)
    c1.wait()
    c2.wait()
    pltpu.sync_copy(srow_v, sa_out.at[pl.ds(sbase, _SB)])
    pltpu.sync_copy(irow_v, idf_out.at[pl.ds(ibase, _IB)])


_BR = 512


def _tc_body(sa_ref, idf_ref, out_ref):
    sa_col = lax.broadcast_in_dim(sa_ref[...], (_BR, _I), (0,))
    idf_row = lax.broadcast_in_dim(idf_ref[...], (_BR, _I), (1,))
    out_ref[...] = sa_col - idf_row


@jax.jit
def kernel(student_ids, item_ids, student_ability, item_difficulty):
    sids = student_ids.astype(jnp.int32)
    iids = item_ids.astype(jnp.int32)
    sa, idf = _sc_gather(sids, iids, student_ability, item_difficulty)
    out = pl.pallas_call(
        _tc_body,
        grid=(_B // _BR,),
        in_specs=[
            pl.BlockSpec((_BR,), lambda i: (i,)),
            pl.BlockSpec((_I,), lambda i: (0,)),
        ],
        out_specs=pl.BlockSpec((_BR, _I), lambda i: (i, 0)),
        out_shape=jax.ShapeDtypeStruct((_B, _I), jnp.float32),
    )(sa, idf)
    return out

# --- scband reference (transcript-rebuilt; emitter-appended) ---
"""Pipeline reference for scband-irtmodel-28724741275712 (READ-ONLY COPY).

The authoritative reference and input builder live on the scoring server;
editing this copy changes nothing except your own understanding.
"""

import jax, jax.numpy as jnp
import numpy as np

NUM_STUDENTS = 100000
NUM_ITEMS = 100000
B = 4096
I = 1024

def setup_inputs(seed: int = 0) -> dict:
    key = jax.random.key(seed)
    k1, k2, k3, k4 = jax.random.split(key, 4)
    student_ids = jax.random.randint(k1, (B,), 0, NUM_STUDENTS, dtype=jnp.int64 if jax.config.jax_enable_x64 else jnp.int32)
    item_ids = jax.random.randint(k2, (I,), 0, NUM_ITEMS, dtype=jnp.int64 if jax.config.jax_enable_x64 else jnp.int32)
    student_ability = 0.1 * jax.random.normal(k3, (NUM_STUDENTS,), dtype=jnp.float32)
    item_difficulty = 0.1 * jax.random.normal(k4, (NUM_ITEMS,), dtype=jnp.float32)
    return {"student_ids": student_ids, "item_ids": item_ids,
            "student_ability": student_ability, "item_difficulty": item_difficulty}

def reference(student_ids, item_ids, student_ability, item_difficulty):
    # gather student abilities: [B]
    sa = jnp.take(student_ability, student_ids, axis=0)
    # expand to [B, I]
    sa = jnp.broadcast_to(sa[:, None], (sa.shape[0], item_ids.shape[0]))
    # gather item difficulties: [I]
    idiff = jnp.take(item_difficulty, item_ids, axis=0)
    predictions = sa - idiff[None, :]
    return predictions

if __name__ == "__main__":
    import jax
    _d = setup_inputs()
    print(jax.jit(kernel)(*tuple(_d.values())))

</pallas_src>

<mosaic_0001>
#map = affine_map<(d0, d1) -> (0)>
module attributes {stable_mosaic.version = 14 : i64} {
  func.func @_sc_gather(%arg0: i32, %arg1: i32, %arg2: memref<4096xi32, #tpu.memory_space<hbm>>, %arg3: memref<1024xi32, #tpu.memory_space<hbm>>, %arg4: memref<100000xf32, #tpu.memory_space<hbm>>, %arg5: memref<100000xf32, #tpu.memory_space<hbm>>, %arg6: memref<4096xf32, #tpu.memory_space<hbm>>, %arg7: memref<1024xf32, #tpu.memory_space<hbm>>, %arg8: memref<128xi32, #tpu.memory_space<vmem>>, %arg9: memref<128xf32, #tpu.memory_space<vmem>>, %arg10: memref<32xi32, #tpu.memory_space<vmem>>, %arg11: memref<32xf32, #tpu.memory_space<vmem>>, %arg12: memref<!tpu.dma_semaphore, #tpu.memory_space<semaphore_mem>>) attributes {dimension_semantics = [#tpu.dimension_semantics<core_parallel>, #tpu.dimension_semantics<subcore_parallel>], iteration_bounds = array<i64: 2, 16>, scalar_prefetch = 0 : i64, scratch_operands = 5 : i64, tpu.core_type = #tpu.core_type<sc_vector_subcore>, window_params = [{transform_indices = #map}, {transform_indices = #map}, {transform_indices = #map}, {transform_indices = #map}, {transform_indices = #map}, {transform_indices = #map}]} {
    %mul3A = arith.constant 2 : i32
    %mul3A_0 = arith.muli %arg1, %mul3A : i32
    %add3A = arith.addi %mul3A_0, %arg0 : i32
    %mul3A_1 = arith.constant 128 : i32
    %mul3A_2 = arith.muli %add3A, %mul3A_1 : i32
    %mul3A_3 = arith.constant 32 : i32
    %mul3A_4 = arith.muli %add3A, %mul3A_3 : i32
    "tpu.region"() ({
      %run_scoped3A = tpu.sem_alloc : memref<!tpu.dma_semaphore, #tpu.memory_space<semaphore_mem>>
      %dma_start3A_11 = tpu.memref_slice %arg2[%mul3A_2] : memref<4096xi32, #tpu.memory_space<hbm>> -> memref<128xi32, #tpu.memory_space<hbm>>
      %dma_start3A_12 = tpu.memref_slice %arg2[%mul3A_2] : memref<4096xi32, #tpu.memory_space<hbm>> -> memref<128xi32, #tpu.memory_space<hbm>>
      tpu.enqueue_dma source(%dma_start3A_12 : memref<128xi32, #tpu.memory_space<hbm>>) target(%arg8 : memref<128xi32, #tpu.memory_space<vmem>>) target_semaphore(%run_scoped3A : memref<!tpu.dma_semaphore, #tpu.memory_space<semaphore_mem>>)
      %dma_wait3A_13 = tpu.memref_slice %arg2[%mul3A_2] : memref<4096xi32, #tpu.memory_space<hbm>> -> memref<128xi32, #tpu.memory_space<hbm>>
      %dma_wait3A_14 = tpu.memref_slice %arg2[%mul3A_2] : memref<4096xi32, #tpu.memory_space<hbm>> -> memref<128xi32, #tpu.memory_space<hbm>>
      tpu.wait_dma2 semaphore(%run_scoped3A : memref<!tpu.dma_semaphore, #tpu.memory_space<semaphore_mem>>) src(%dma_wait3A_14 : memref<128xi32, #tpu.memory_space<hbm>>) dst(%arg8 : memref<128xi32, #tpu.memory_space<vmem>>)
      tpu.yield
    }) : () -> ()
    "tpu.region"() ({
      %run_scoped3A = tpu.sem_alloc : memref<!tpu.dma_semaphore, #tpu.memory_space<semaphore_mem>>
      %dma_start3A_11 = tpu.memref_slice %arg3[%mul3A_4] : memref<1024xi32, #tpu.memory_space<hbm>> -> memref<32xi32, #tpu.memory_space<hbm>>
      %dma_start3A_12 = tpu.memref_slice %arg3[%mul3A_4] : memref<1024xi32, #tpu.memory_space<hbm>> -> memref<32xi32, #tpu.memory_space<hbm>>
      tpu.enqueue_dma source(%dma_start3A_12 : memref<32xi32, #tpu.memory_space<hbm>>) target(%arg10 : memref<32xi32, #tpu.memory_space<vmem>>) target_semaphore(%run_scoped3A : memref<!tpu.dma_semaphore, #tpu.memory_space<semaphore_mem>>)
      %dma_wait3A_13 = tpu.memref_slice %arg3[%mul3A_4] : memref<1024xi32, #tpu.memory_space<hbm>> -> memref<32xi32, #tpu.memory_space<hbm>>
      %dma_wait3A_14 = tpu.memref_slice %arg3[%mul3A_4] : memref<1024xi32, #tpu.memory_space<hbm>> -> memref<32xi32, #tpu.memory_space<hbm>>
      tpu.wait_dma2 semaphore(%run_scoped3A : memref<!tpu.dma_semaphore, #tpu.memory_space<semaphore_mem>>) src(%dma_wait3A_14 : memref<32xi32, #tpu.memory_space<hbm>>) dst(%arg10 : memref<32xi32, #tpu.memory_space<vmem>>)
      tpu.yield
    }) : () -> ()
    %dma_start3A = arith.constant 0 : i32
    %dma_start3A_5 = tpu.memref_slice %arg4[%dma_start3A] : memref<100000xf32, #tpu.memory_space<hbm>> -> memref<100000xf32, #tpu.memory_space<hbm>>
    tpu.enqueue_indirect_dma source(%dma_start3A_5 : memref<100000xf32, #tpu.memory_space<hbm>>) target(%arg9 : memref<128xf32, #tpu.memory_space<vmem>>) offsets(%arg8 : memref<128xi32, #tpu.memory_space<vmem>>) semaphore(%arg12 : memref<!tpu.dma_semaphore, #tpu.memory_space<semaphore_mem>>)
    %dma_start3A_6 = arith.constant 0 : i32
    %dma_start3A_7 = tpu.memref_slice %arg5[%dma_start3A_6] : memref<100000xf32, #tpu.memory_space<hbm>> -> memref<100000xf32, #tpu.memory_space<hbm>>
    tpu.enqueue_indirect_dma source(%dma_start3A_7 : memref<100000xf32, #tpu.memory_space<hbm>>) target(%arg11 : memref<32xf32, #tpu.memory_space<vmem>>) offsets(%arg10 : memref<32xi32, #tpu.memory_space<vmem>>) semaphore(%arg12 : memref<!tpu.dma_semaphore, #tpu.memory_space<semaphore_mem>>)
    %dma_wait3A = arith.constant 0 : i32
    %dma_wait3A_8 = tpu.memref_slice %arg4[%dma_wait3A] : memref<100000xf32, #tpu.memory_space<hbm>> -> memref<100000xf32, #tpu.memory_space<hbm>>
    tpu.wait_indirect_dma semaphore(%arg12 : memref<!tpu.dma_semaphore, #tpu.memory_space<semaphore_mem>>) src(%dma_wait3A_8 : memref<100000xf32, #tpu.memory_space<hbm>>) dst(%arg9 : memref<128xf32, #tpu.memory_space<vmem>>)
    %dma_wait3A_9 = arith.constant 0 : i32
    %dma_wait3A_10 = tpu.memref_slice %arg5[%dma_wait3A_9] : memref<100000xf32, #tpu.memory_space<hbm>> -> memref<100000xf32, #tpu.memory_space<hbm>>
    tpu.wait_indirect_dma semaphore(%arg12 : memref<!tpu.dma_semaphore, #tpu.memory_space<semaphore_mem>>) src(%dma_wait3A_10 : memref<100000xf32, #tpu.memory_space<hbm>>) dst(%arg11 : memref<32xf32, #tpu.memory_space<vmem>>)
    "tpu.region"() ({
      %run_scoped3A = tpu.sem_alloc : memref<!tpu.dma_semaphore, #tpu.memory_space<semaphore_mem>>
      %dma_start3A_11 = tpu.memref_slice %arg6[%mul3A_2] : memref<4096xf32, #tpu.memory_space<hbm>> -> memref<128xf32, #tpu.memory_space<hbm>>
      %dma_start3A_12 = tpu.memref_slice %arg6[%mul3A_2] : memref<4096xf32, #tpu.memory_space<hbm>> -> memref<128xf32, #tpu.memory_space<hbm>>
      tpu.enqueue_dma source(%arg9 : memref<128xf32, #tpu.memory_space<vmem>>) target(%dma_start3A_12 : memref<128xf32, #tpu.memory_space<hbm>>) target_semaphore(%run_scoped3A : memref<!tpu.dma_semaphore, #tpu.memory_space<semaphore_mem>>)
      %dma_wait3A_13 = tpu.memref_slice %arg6[%mul3A_2] : memref<4096xf32, #tpu.memory_space<hbm>> -> memref<128xf32, #tpu.memory_space<hbm>>
      %dma_wait3A_14 = tpu.memref_slice %arg6[%mul3A_2] : memref<4096xf32, #tpu.memory_space<hbm>> -> memref<128xf32, #tpu.memory_space<hbm>>
      tpu.wait_dma2 semaphore(%run_scoped3A : memref<!tpu.dma_semaphore, #tpu.memory_space<semaphore_mem>>) src(%arg9 : memref<128xf32, #tpu.memory_space<vmem>>) dst(%dma_wait3A_14 : memref<128xf32, #tpu.memory_space<hbm>>)
      tpu.yield
    }) : () -> ()
    "tpu.region"() ({
      %run_scoped3A = tpu.sem_alloc : memref<!tpu.dma_semaphore, #tpu.memory_space<semaphore_mem>>
      %dma_start3A_11 = tpu.memref_slice %arg7[%mul3A_4] : memref<1024xf32, #tpu.memory_space<hbm>> -> memref<32xf32, #tpu.memory_space<hbm>>
      %dma_start3A_12 = tpu.memref_slice %arg7[%mul3A_4] : memref<1024xf32, #tpu.memory_space<hbm>> -> memref<32xf32, #tpu.memory_space<hbm>>
      tpu.enqueue_dma source(%arg11 : memref<32xf32, #tpu.memory_space<vmem>>) target(%dma_start3A_12 : memref<32xf32, #tpu.memory_space<hbm>>) target_semaphore(%run_scoped3A : memref<!tpu.dma_semaphore, #tpu.memory_space<semaphore_mem>>)
      %dma_wait3A_13 = tpu.memref_slice %arg7[%mul3A_4] : memref<1024xf32, #tpu.memory_space<hbm>> -> memref<32xf32, #tpu.memory_space<hbm>>
      %dma_wait3A_14 = tpu.memref_slice %arg7[%mul3A_4] : memref<1024xf32, #tpu.memory_space<hbm>> -> memref<32xf32, #tpu.memory_space<hbm>>
      tpu.wait_dma2 semaphore(%run_scoped3A : memref<!tpu.dma_semaphore, #tpu.memory_space<semaphore_mem>>) src(%arg11 : memref<32xf32, #tpu.memory_space<vmem>>) dst(%dma_wait3A_14 : memref<32xf32, #tpu.memory_space<hbm>>)
      tpu.yield
    }) : () -> ()
    return
  }
}

module attributes {stable_mosaic.version = 14 : i64} {
  func.func @_tc_body(%arg0: i32, %arg1: memref<512xf32, #tpu.memory_space<vmem>>, %arg2: memref<1024xf32, #tpu.memory_space<vmem>>, %arg3: memref<512x1024xf32, #tpu.memory_space<vmem>>) attributes {dimension_semantics = [#tpu.dimension_semantics<arbitrary>], iteration_bounds = array<i64: 8>, scalar_prefetch = 0 : i64, scratch_operands = 0 : i64, tpu.core_type = #tpu.core_type<tc>, window_params = [{transform_indices = @transform_0, window_bounds = array<i64: 512>}, {pipeline_mode = #tpu.pipeline_mode<synchronous>, transform_indices = @transform_1, window_bounds = array<i64: 1024>}, {transform_indices = @transform_2, window_bounds = array<i64: 512, 1024>}]} {
    %get3A = arith.constant 0 : index
    %get3A_0 = vector.load %arg1[%get3A] : memref<512xf32, #tpu.memory_space<vmem>>, vector<512xf32>
    %broadcast_in_dim3A = vector.shape_cast %get3A_0 : vector<512xf32> to vector<512x1xf32>
    %broadcast_in_dim3A_1 = vector.broadcast %broadcast_in_dim3A : vector<512x1xf32> to vector<512x1024xf32>
    %get3A_2 = arith.constant 0 : index
    %get3A_3 = vector.load %arg2[%get3A_2] : memref<1024xf32, #tpu.memory_space<vmem>>, vector<1024xf32>
    %broadcast_in_dim3A_4 = vector.shape_cast %get3A_3 : vector<1024xf32> to vector<1x1024xf32>
    %broadcast_in_dim3A_5 = vector.broadcast %broadcast_in_dim3A_4 : vector<1x1024xf32> to vector<512x1024xf32>
    %sub3A = arith.subf %broadcast_in_dim3A_1, %broadcast_in_dim3A_5 : vector<512x1024xf32>
    %swap3A = arith.constant 0 : index
    %swap3A_6 = arith.constant 0 : index
    %swap3A_7 = vector.load %arg3[%swap3A, %swap3A_6] : memref<512x1024xf32, #tpu.memory_space<vmem>>, vector<512x1024xf32>
    tpu.vector_store %arg3[%swap3A, %swap3A_6], %sub3A {strides = array<i32>} : memref<512x1024xf32, #tpu.memory_space<vmem>>, vector<512x1024xf32>,
    return
  }
  func.func @transform_0(%arg0: i32) -> i32 {
    %c0_i32 = arith.constant 0 : i32
    return %arg0 : i32
  }
  func.func @transform_1(%arg0: i32) -> i32 {
    %c0_i32 = arith.constant 0 : i32
    %c0_i32_0 = arith.constant 0 : i32
    return %c0_i32 : i32
  }
  func.func @transform_2(%arg0: i32) -> (i32, i32) {
    %c0_i32 = arith.constant 0 : i32
    %c0_i32_0 = arith.constant 0 : i32
    return %arg0, %c0_i32 : i32, i32
  }
}

</mosaic_0001>

<sc_bundles>
// kernel: kernel.4.cloned.1.call-start
scs
__scs_entry_jumppad:
0x0: {  	(pc) =	sbr.rel $0x88, $3  }
0x1: {  	(tag) =	ssettag $0x0;
	lr =	simm.s32 $0x1  }
0x2: {  	[smem:$0x3F9D] =	sst lr;
	_ =	strace $0xD0000000  }
0x3: {  	_ = 	snop  }
0x4: {  	_ = 	snop  }
0x5: {  	_ = 	snop  }
0x6: {  	_ = 	snop  }
0x7: {  	_ = 	snop  }
__scs_overlays_trampoline_lowered:
0x8: {  	[smem:$0x3FAC] =	sst s0  }
0x9: {  	[smem:$0x3FAD] =	sst s1  }
0xa: {  	[smem:$0x3FAE] =	sst s2  }
0xb: {  	[smem:$0x3FAF] =	sst s3  }
0xc: {  	[smem:$0x3FB0] =	sst s4  }
0xd: {  	[smem:$0x3FB1] =	sst s5  }
0xe: {  	[smem:$0x3FB2] =	sst s6  }
0xf: {  	[smem:$0x3FB3] =	sst s7  }
0x10: {  	[smem:$0x3FB4] =	sst s8  }
0x11: {  	[smem:$0x3FB5] =	sst s9;
	s0 =	simm.s32 @!p0 $0x0  }
0x12: {  	s1 =	sld [smem:$0x3F9B];
	s0 =	simm.s32 @p0 $0x1  }
0x13: {  	[smem:$0x3FB6] =	sst s0;
	s0 =	simm.s32 @!p1 $0x0  }
0x14: {  	s2 =	sld [smem:$0x3F9A];
	s0 =	simm.s32 @p1 $0x1  }
0x15: {  	[smem:$0x3FB7] =	sst s0;
	s0 =	simm.s32 @!p2 $0x0  }
0x16: {  	s3 =	sld [smem:$0x3FDB];
	s0 =	simm.s32 @p2 $0x1  }
0x17: {  	s4 =	simm.s32 $0x1BF5;
	[smem:$0x3FB9] =	sst s0  }
0x18: {  	s0 =	sld [smem:$0x3F9C];
	_ =	swait.ge [sflag:s4], $0x0  }
0x19: {  	s7 =	sld [smem:$0x3F9D]  }
0x1a: {  	s8 =	sadd.s32 $0xFFFFE003, lr  }
0x1b: {  	s9 =	sadd.s32 $0xFFFFFEF7, lr;
	s5 =	simm.s32 $0xFFFFFFFF;
	p2 =	slt.u32 s8, $0xFFFFF086  }
0x1c: {  	p1 =	slt.u32 s9, $0xF7A;
	s5 =	simm.s32 @!p2 $0x0  }
0x1d: {  	s5 =	simm.s32 @p1 $0x1;
	p0 =	seq.s32 s7, s2  }
0x1e: {  	s7 =	smul.u32 @!p0 $0xF7A, s2;
	p2 =	seq.s32 @!p0 s5, $0x0  }
0x1f: {  	s9 =	smul.u32 $0xF7A, s1;
	s8 =	simm.s32 @!p0 $0x1BF5;
	p2 =	por !p2, p0  }
0x20: {  	[sflag:s8] =	ssyncset.s32 @!p0 $0xFFFFF086;
	s6 =	sadd.s32 @!p0 s3, s7;
	s7 =	simm.s32 @!p0 $0x108  }
0x21: {  	s3 =	sadd.s32 s3, s9;
	s6 =	sadd.s32 @!p0 $0x88, s6;
	s7 =	simm.s32 @p2 $0x1082  }
0x22: {  	[simem:s7], [sflag:s8] =	dma.local @!p0 [hbm:s6], $0xF7A  }
0x23: {  	s9 =	sor.u32 $0xD0000000, s2;
	s6 =	simm.s32 $0x108;
	_ =	swait.ge @!p0 [sflag:s8], $0x0  }
0x24: {  	s3 =	sadd.s32 $0x88, s3;
	s6 =	simm.s32 @!p1 $0x1082;
	[sflag:s4] =	ssyncset.s32 $0xFFFFF086  }
0x25: {  	[simem:s6], [sflag:s4] =	dma.local [hbm:s3], $0xF7A  }
0x26: {  	[smem:$0x3F9D] =	sst s1;
	(tag) =	ssettag s2;
	_ =	strace s9  }
0x27: {  	s1 =	sld [smem:$0x3FAD]  }
0x28: {  	s2 =	sld [smem:$0x3FAE]  }
0x29: {  	s4 =	sld [smem:$0x3FB0]  }
0x2a: {  	p0 =	seq.s32 s5, $0x0;
	s5 =	sld [smem:$0x3FB1]  }
0x2b: {  	s6 =	sld [smem:$0x3FB2]  }
0x2c: {  	s7 =	sld [smem:$0x3FB3]  }
0x2d: {  	s3 =	simm.s32 $0x108;
	s8 =	sld [smem:$0x3FB4]  }
0x2e: {  	s3 =	simm.s32 @!p0 $0x1082;
	s9 =	sld [smem:$0x3FB5]  }
0x2f: {  	lr =	sadd.s32 s0, s3;
	s0 =	sld [smem:$0x3FAC]  }
0x30: {  	s3 =	sld [smem:$0x3FAF]  }
0x31: {  	[smem:$0x3FB8] =	sst s10  }
0x32: {  	s10 =	sld [smem:$0x3FB6];
	_ =	sdelay $0x3  }
0x33: {  	p0 =	seq.s32 s10, $0x1;
	s10 =	sld [smem:$0x3FB8];
	_ =	sdelay $0x3  }
0x34: {  	[smem:$0x3FB8] =	sst s10  }
0x35: {  	s10 =	sld [smem:$0x3FB7];
	_ =	sdelay $0x3  }
0x36: {  	p1 =	seq.s32 s10, $0x1;
	s10 =	sld [smem:$0x3FB8];
	_ =	sdelay $0x3  }
0x37: {  	[smem:$0x3FB8] =	sst s10  }
0x38: {  	s10 =	sld [smem:$0x3FB9]  }
0x39: {  	_ = 	snop;
	(pc) =	sbr.ind lr, $3  }
0x3a: {  	_ = 	snop  }
0x3b: {  	_ = 	snop  }
0x3c: {  	p2 =	seq.s32 s10, $0x1;
	s10 =	sld [smem:$0x3FB8]  }
0x3d: {  	_ =	shalt  }
0x3e: {  	_ =	shalt  }
0x3f: {  	_ =	shalt  }
0x40: {  	_ =	shalt  }
0x41: {  	_ =	shalt  }
0x42: {  	_ =	shalt  }
0x43: {  	_ =	shalt  }
0x44: {  	_ =	shalt  }
0x45: {  	_ =	shalt  }
0x46: {  	_ =	shalt  }
0x47: {  	_ =	shalt  }
0x48: {  	_ =	shalt  }
0x49: {  	_ =	shalt  }
0x4a: {  	_ =	shalt  }
0x4b: {  	_ =	shalt  }
0x4c: {  	_ =	shalt  }
0x4d: {  	_ =	shalt  }
0x4e: {  	_ =	shalt  }
0x4f: {  	_ =	shalt  }
0x50: {  	_ =	shalt  }
0x51: {  	_ =	shalt  }
0x52: {  	_ =	shalt  }
0x53: {  	_ =	shalt  }
0x54: {  	_ =	shalt  }
0x55: {  	_ =	shalt  }
0x56: {  	_ =	shalt  }
0x57: {  	_ =	shalt  }
0x58: {  	_ =	shalt  }
0x59: {  	_ =	shalt  }
0x5a: {  	_ =	shalt  }
0x5b: {  	_ =	shalt  }
0x5c: {  	_ =	shalt  }
0x5d: {  	_ =	shalt  }
0x5e: {  	_ =	shalt  }
0x5f: {  	_ =	shalt  }
0x60: {  	_ =	shalt  }
0x61: {  	_ =	shalt  }
0x62: {  	_ =	shalt  }
0x63: {  	_ =	shalt  }
0x64: {  	_ =	shalt  }
0x65: {  	_ =	shalt  }
0x66: {  	_ =	shalt  }
0x67: {  	_ =	shalt  }
0x68: {  	_ =	shalt  }
0x69: {  	_ =	shalt  }
0x6a: {  	_ =	shalt  }
0x6b: {  	_ =	shalt  }
0x6c: {  	_ =	shalt  }
0x6d: {  	_ =	shalt  }
0x6e: {  	_ =	shalt  }
0x6f: {  	_ =	shalt  }
0x70: {  	_ =	shalt  }
0x71: {  	_ =	shalt  }
0x72: {  	_ =	shalt  }
0x73: {  	_ =	shalt  }
0x74: {  	_ =	shalt  }
0x75: {  	_ =	shalt  }
0x76: {  	_ =	shalt  }
0x77: {  	_ =	shalt  }
0x78: {  	_ =	shalt  }
0x79: {  	_ =	shalt  }
0x7a: {  	_ =	shalt  }
0x7b: {  	_ =	shalt  }
0x7c: {  	_ =	shalt  }
0x7d: {  	_ =	shalt  }
0x7e: {  	_ =	shalt  }
0x7f: {  	_ =	shalt  }
0x80: {  	_ =	shalt  }
0x81: {  	_ =	shalt  }
0x82: {  	_ =	shalt  }
0x83: {  	_ =	shalt  }
0x84: {  	_ =	shalt  }
0x85: {  	_ =	shalt  }
0x86: {  	_ =	shalt  }
0x87: {  	_ =	shalt  }
.Lfunc_end0:
.L_simem_size_0:
called_computation_lowered:
.L_overlay_start_0:
0x88: {  	s2 =	sld [smem:$0x3FD9]  }
0x89: {  	s3 =	sld [smem:$0x3FFE];
	_ =	sdelay $0x1  }
0x8a: {  	s1 =	srdreg.scid  }
0x8b: {  	s0 =	sand.u32 $0x1, s1  }
0x8c: {  	s17 =	sshll.u32 s0, $0xA;
	s2 =	sadd.s32 s3, s2  }
0x8d: {  	s2 =	sadd.s32 s2, s17  }
0x8e: {  	[smem:$0x3FC4] =	sst s2  }
0x8f: {  	_ = 	snop  }
0x90: {  	s2 =	sld [smem:$0x3FC9]  }
0x91: {  	s18 =	sld [smem:$0x3FC8]  }
0x92: {  	s4 =	sld [smem:$0x3FC7]  }
0x93: {  	s5 =	sld [smem:$0x3FC6]  }
0x94: {  	s6 =	sld [smem:$0x3FD0];
	(tm) =	ssettm $0x1  }
0x95: {  	s7 =	sld [smem:$0x3FFB];
	_ =	sdelay $0x3  }
0x96: {  	_ =	strace s7  }
0x97: {  	s7 =	sld [smem:$0x3FFC];
	_ =	sdelay $0x3  }
0x98: {  	_ =	strace s7  }
0x99: {  	s7 =	sld [smem:$0x3FFD];
	_ =	sdelay $0x3  }
0x9a: {  	_ =	strace s7  }
0x9b: {  	_ =	strace $0x8FFFFFFF  }
0x9c: {  	s19 =	sld [smem:$0x3FDB];
	_ =	sdelay $0x1  }
0x9d: {  	s8 =	simm.s32 $_scs_section_size  }
0x9e: {  	s9 =	simm.s32 $_size__tile_overlayer_lowered;
	s10 =	simm.s32 $_tile_overlayer_lowered  }
0x9f: {  	s22 =	simm.s32 $0x1BFF;
	s21 =	sshll.u32 s10, $0x1;
	s7 =	sadd.s32 s8, s19  }
0xa0: {  	s11 =	simm.s32 $0x0;
	s20 =	sshll.u32 s9, $0x1;
	s9 =	sadd.s32 s21, s7  }
0xa1: {  	[timem:s11], [sflag:s22] =	dma.local [hbm:s9], s20  }
0xa2: {  	_ =	swait.ge [sflag:s22], s20  }
0xa3: {  	s8 =	ssub.s32 $0x0, s20;
	[sflag:s22] =	ssyncset.done $0x0  }
0xa4: {  	[sflag:s22] =	ssyncadd.s32 s8;
	_ =	sdelay $0x1  }
0xa5: {  	s23 =	simm.s32 $0x1B8B  }
0xa6: {  	_ =	swait.ge [sflag:s23], $0x1  }
0xa7: {  	[sflag:s23] =	ssyncset.done $0x0  }
0xa8: {  	s25 =	simm.s32 $0x1B8E;
	s24 =	sld [smem:$0x3FFE];
	[sflag:s23] =	ssyncadd.s32 $0xFFFFFFFF  }
0xa9: {  	s26 =	simm.s32 $execute0_lowered;
	[smem:$0x3FD2] =	sst s25  }
0xaa: {  	s9 =	sshll.u32 s26, $0x1;
	_ =	strace $0x80000046;
	[dreg:$0x1] =	wrdreg $0xFFFFFFFF  }
0xab: {  	s28 =	simm.s32 $_size_execute0_lowered;
	s7 =	sadd.s32 s7, s9;
	[dreg:$0x0] =	wrdreg $0x0  }
0xac: {  	s9 =	sshll.u32 s28, $0x1;
	[dreg:$0x2] =	wrdreg s7  }
0xad: {  	[dreg:$0x3] =	wrdreg s9  }
0xae: {  	[dreg:$0x4] =	wrdreg $0xC0  }
0xaf: {  	_ =	task [dreg:s11], $0x5FFFF  }
0xb0: {  	[dreg:$0x1] =	wrdreg $0xFFFFFFFF  }
0xb1: {  	[dreg:$0x0] =	wrdreg $0x60  }
0xb2: {  	[dreg:$0x2] =	wrdreg s2  }
0xb3: {  	[dreg:$0x3] =	wrdreg s18  }
0xb4: {  	[dreg:$0x4] =	wrdreg s4  }
0xb5: {  	[dreg:$0x5] =	wrdreg s5  }
0xb6: {  	[dreg:$0x6] =	wrdreg s6  }
0xb7: {  	[dreg:$0x7] =	wrdreg s24  }
0xb8: {  	[dreg:$0x8] =	wrdreg $0x9  }
0xb9: {  	_ =	task.clear_ibuf [dreg:s11], $0x9FFFF;
	_ =	strace $0x90000046  }
0xba: {  	s29 =	simm.s32 $0x9;
	_ =	strace $0x80000048  }
0xbb: {  	_ =	swait.ge [sflag:s29], $0x1  }
0xbc: {  	[sflag:s29] =	ssyncadd.s32 $0xFFFFFFFF  }
0xbd: {  	_ =	strace $0x90000048  }
0xbe: {  	_ =	sfence  }
0xbf: {  	s30 =	sld [smem:$0x0];
	_ =	sdelay $0x2  }
0xc0: {  	s31 =	sshll.u32 s1, $0xD;
	s1 =	sshrl.u32 s1, $0x2  }
0xc1: {  	s3 =	sand.u32 $0x4000, s31;
	s1 =	sadd.s32 s1, s30  }
0xc2: {  	s0 =	sor.u32 s3, s0;
	s1 =	sshll.u32 s1, $0x11  }
0xc3: {  	s0 =	sor.u32 s1, s0  }
0xc4: {  	s0 =	sadd.s32 $0x8F2B, s0  }
0xc5: {  	[sflag:s0] =	ssyncadd.remote.s32 $0x1  }
0xc6: {  	_ =	sfence.sel $0xFFFF  }
0xc7: {  	[dreg:$0x0] =	wrdreg $0xFFFFFFFF;
	(pc) =	sbr.abs _section_cstart, $3  }
0xc8: {  	[dreg:$0x1] =	wrdreg $0xFFFFFFFF  }
0xc9: {  	_ =	task.clear_ibuf [dreg:s11], $0x2FFFF;
	_ =	strace $0x9FFFFFFF  }
0xca: {  	(tm) =	ssettm $0x7FFFFFFF  }
0xcb: {  	_ =	shalt  }
tec
execute0_lowered:
.L_overlay_start_1:
0x0: {  	(tag) =	ssettag $0x1  }
0x1: {  	s5 =	rddreg [dreg:$0x0]  }
0x2: {  	s7 =	rddreg [dreg:$0x1]  }
0x3: {  	s1 =	rddreg [dreg:$0x2]  }
0x4: {  	s3 =	rddreg [dreg:$0x3]  }
0x5: {  	s13 =	rddreg [dreg:$0x4]  }
0x6: {  	s2 =	srdreg.scid;
	s0 =	stileid.u32  }
0x7: {  	s14 =	rddreg [dreg:$0x5];
	s15 =	sand.u32 $0x1, s2;
	s6 =	sshll.u32 s0, $0x1  }
0x8: {  	s4 =	simm.s32 $0x0;
	s2 =	rddreg [dreg:$0x6];
	s8 =	sor.u32 s15, s6  }
0x9: {  	[smem:$0x7FF] =	sst s4;
	s16 =	sshll.u32 s8, $0x4  }
0xa: {  	_ =	strace $0x80000047;
	s6 =	sadd.s32 s5, s16;
	s5 =	simm.s32 $0x2  }
0xb: {  	[tilespmem:s4], [sflag:$0x2] =	stream.linear.gather [hbm4b:s6+s4], $0x80, $0x38;
	[tilespmem:$0x200] =	vst v63  }
0xc: {  	_ =	swait.ge [sflag:s5], $0x80  }
0xd: {  	s17 =	sshll.u32 s8, $0x2;
	[sflag:s5] =	ssyncset.done $0x0  }
0xe: {  	s8 =	simm.s32 $0x100;
	s7 =	sadd.s32 s7, s17;
	[sflag:s5] =	ssyncadd.s32 $0xFFFFFF80  }
0xf: {  	[tilespmem:s8], [sflag:$0x2] =	stream.linear.gather [hbm4b:s7+s4], $0x20, $0x38;
	[tilespmem:$0x200] =	vst v63  }
0x10: {  	_ =	swait.ge [sflag:s5], $0x20  }
0x11: {  	[sflag:s5] =	ssyncset.done $0x0  }
0x12: {  	s9 =	simm.s32 $0x80;
	[sflag:s5] =	ssyncadd.s32 $0xFFFFFFE0  }
0x13: {  	[tilespmem:s9], [sflag:$0x1] =	stream.indirect.gather [hbm4b:s1+s9], $0x1, s4, s9, $0xb8;
	[tilespmem:$0x200] =	vst v63  }
0x14: {  	s10 =	simm.s32 $0x20;
	s11 =	simm.s32 $0x180;
	s12 =	simm.s32 $0x1  }
0x15: {  	[tilespmem:s11], [sflag:$0x1] =	stream.indirect.gather [hbm4b:s3+s10], $0x1, s8, s10, $0xb8;
	[tilespmem:$0x200] =	vst v63  }
0x16: {  	_ =	swait.ge [sflag:s12], $0x80  }
0x17: {  	[sflag:s12] =	ssyncset.done $0x0  }
0x18: {  	s15 =	ssub.s32 $0x2, s15;
	[sflag:s12] =	ssyncadd.s32 $0xFFFFFF80  }
0x19: {  	s31 =	sshrl.u32 s15, $0x1;
	_ =	swait.ge [sflag:s12], $0x20  }
0x1a: {  	s15 =	ssub.s32 s15, s31;
	[sflag:s12] =	ssyncset.done $0x0  }
0x1b: {  	s13 =	sadd.s32 s13, s16;
	s15 =	smax.u32 s15, $0x1;
	[sflag:s12] =	ssyncadd.s32 $0xFFFFFFE0  }
0x1c: {  	[hbm4b:s13+s4] =	stream.linear.scatter [tilespmem:s9], [sflag:$0x2], $0x80, $0x38;
	[tilespmem:$0x200] =	vst v63  }
0x1d: {  	p0 =	sne.s32 s15, $0x1;
	_ =	swait.ge [sflag:s5], $0x80  }
.Ltmp0:
0x1e: {  	s14 =	sadd.s32 s17, s14;
	[sflag:s5] =	ssyncset.done $0x0;
	(pc) =	sbr.rel @!p0 .LBB2_2-.Ltmp0, $4  }
0x1f: {  	s14 =	sadd.s32 $0xC00, s14;
	[sflag:s5] =	ssyncadd.s32 $0xFFFFFF80  }
0x20: {  	[hbm4b:s14+s4] =	stream.linear.scatter [tilespmem:s11], [sflag:$0x2], $0x20, $0x38;
	[tilespmem:$0x200] =	vst v63  }
0x21: {  	_ =	swait.ge [sflag:s5], $0x20  }
0x22: {  	s15 =	sadd.s32 $0xFFFFFFFF, s15;
	[sflag:s5] =	ssyncset.done $0x0  }
.LBB2_1:
0x23: {  	p0 =	sne.s32 s15, $0x1;
	s15 =	sadd.s32 $0xFFFFFFFF, s15;
	[sflag:s5] =	ssyncadd.s32 $0xFFFFFFE0  }
0x24: {  	[tilespmem:s4], [sflag:$0x2] =	stream.linear.gather [hbm4b:s6+s4], $0x80, $0x38;
	[tilespmem:$0x200] =	vst v63  }
0x25: {  	_ =	swait.ge [sflag:s5], $0x80  }
0x26: {  	[sflag:s5] =	ssyncset.done $0x0  }
0x27: {  	[sflag:s5] =	ssyncadd.s32 $0xFFFFFF80  }
0x28: {  	[tilespmem:s8], [sflag:$0x2] =	stream.linear.gather [hbm4b:s7+s4], $0x20, $0x38;
	[tilespmem:$0x200] =	vst v63  }
0x29: {  	_ =	swait.ge [sflag:s5], $0x20  }
0x2a: {  	[sflag:s5] =	ssyncset.done $0x0  }
0x2b: {  	[sflag:s5] =	ssyncadd.s32 $0xFFFFFFE0  }
0x2c: {  	[tilespmem:s9], [sflag:$0x1] =	stream.indirect.gather [hbm4b:s1+s9], $0x1, s4, s9, $0xb8;
	[tilespmem:$0x200] =	vst v63  }
0x2d: {  	_ = 	snop  }
0x2e: {  	[tilespmem:s11], [sflag:$0x1] =	stream.indirect.gather [hbm4b:s3+s10], $0x1, s8, s10, $0xb8;
	[tilespmem:$0x200] =	vst v63  }
0x2f: {  	_ =	swait.ge [sflag:s12], $0x80  }
0x30: {  	[sflag:s12] =	ssyncset.done $0x0  }
0x31: {  	[sflag:s12] =	ssyncadd.s32 $0xFFFFFF80  }
0x32: {  	_ =	swait.ge [sflag:s12], $0x20  }
0x33: {  	[sflag:s12] =	ssyncset.done $0x0  }
0x34: {  	[sflag:s12] =	ssyncadd.s32 $0xFFFFFFE0  }
0x35: {  	[hbm4b:s13+s4] =	stream.linear.scatter [tilespmem:s9], [sflag:$0x2], $0x80, $0x38;
	[tilespmem:$0x200] =	vst v63  }
0x36: {  	_ =	swait.ge [sflag:s5], $0x80  }
.Ltmp1:
0x37: {  	[sflag:s5] =	ssyncset.done $0x0;
	(pc) =	sbr.rel @p0 .LBB2_1-.Ltmp1, $4  }
0x38: {  	[sflag:s5] =	ssyncadd.s32 $0xFFFFFF80  }
0x39: {  	[hbm4b:s14+s4] =	stream.linear.scatter [tilespmem:s11], [sflag:$0x2], $0x20, $0x38;
	[tilespmem:$0x200] =	vst v63  }
0x3a: {  	_ =	swait.ge [sflag:s5], $0x20  }
0x3b: {  	[sflag:s5] =	ssyncset.done $0x0  }
.LBB2_2:
0x3c: {  	[sflag:s5] =	ssyncadd.s32 $0xFFFFFFE0  }
0x3d: {  	_ =	sfence.sel $0x180000  }
0x3e: {  	[bflag:$0x0] =	sbarrier.arrive $0xFFFF  }
0x3f: {  	p0 =	sne.s32 s0, $0x0;
	_ =	strace $0x90000047  }
0x40: {  	s0 =	sadd.s32 @!p0 $0x100000, s2;
	[bflag:$0x2] =	sbarrier.arrive $0xFFFF  }
0x41: {  	[sflag:s0] =	ssyncadd.tile.s32 @!p0 $0x1;
	_ =	shalt  }
.Lfunc_end2:
_tile_overlayer_lowered:
.L_overlay_start_2:
0x42: {  	(tag) =	ssettag $0x2  }
0x43: {  	s0 =	rddreg [dreg:$0x0];
	s2 =	stileid.u32  }
0x44: {  	s1 =	rddreg [dreg:$0x1];
	p0 =	sne.s32 s2, $0x0  }
0x45: {  	s3 =	rddreg [dreg:$0x2];
	[bflag:$0x3] =	sbarrier.arrive $0xFFFF;
	s2 =	simm.s32 @!p0 $0x1C02  }
0x46: {  	[timem:s3], [sflag:s2] =	dma.local @!p0 [hbm:s0], s1  }
0x47: {  	s0 =	simm.s32 @!p0 $0x2  }
0x48: {  	_ =	swait.ge @!p0 [sflag:s0], s1  }
0x49: {  	s1 =	ssub.s32 @!p0 $0x0, s1;
	[sflag:s0] =	ssyncset.done @!p0 $0x0  }
0x4a: {  	[sflag:s0] =	ssyncadd.s32 @!p0 s1  }
0x4b: {  	[bflag:$0x3] =	sbarrier.arrive $0xFFFF  }
0x4c: {  	_ =	shalt  }

</sc_bundles>
